<compile_context>
chip_gen: v7x
topology: tpu7x:2x2x1
jax: 0.10.2.dev20260603
libtpu: 0.0.44.dev20260713+nightly
codegen_flags: <defaults>
</compile_context>

<pallas_src>
import functools

import jax
import jax.numpy as jnp
from jax import lax
from jax.experimental import pallas as pl
from jax.experimental.pallas import tpu as pltpu
from jax.experimental.pallas import tpu_sc as plsc

MAX_IDX = 10
N = 16384
LANES = 16
NUM_SUBCORES = 16
CHUNK = N // NUM_SUBCORES
NUM_VECS = CHUNK // LANES

_GATHER_DNUMS = lax.GatherDimensionNumbers(
    offset_dims=(), collapsed_slice_dims=(0,), start_index_map=(0,))


def _vgather(vec, idx):
    return lax.gather(vec, idx, _GATHER_DNUMS, slice_sizes=(1,),
                      mode=lax.GatherScatterMode.PROMISE_IN_BOUNDS)


def _make_sc_kernel():
    mesh = plsc.VectorSubcoreMesh(core_axis_name="c", subcore_axis_name="s",
                                  num_cores=1)

    @functools.partial(
        pl.kernel,
        mesh=mesh,
        out_type=jax.ShapeDtypeStruct((N,), jnp.float32),
        scratch_types=[
            pltpu.VMEM((CHUNK,), jnp.float32),
            pltpu.VMEM((CHUNK,), jnp.int32),
            pltpu.VMEM((CHUNK,), jnp.float32),
            pltpu.VMEM((2 * LANES,), jnp.float32),
            pltpu.SemaphoreType.DMA,
        ],
    )
    def body(logits_hbm, counts_hbm, conf_hbm, maxl_hbm, out_hbm,
             lv, cv, ov, pv, sem):
        base = lax.axis_index("s") * CHUNK
        c1 = pltpu.async_copy(logits_hbm.at[pl.ds(base, CHUNK)], lv, sem)
        c2 = pltpu.async_copy(counts_hbm.at[pl.ds(base, CHUNK)], cv, sem)
        c3 = pltpu.async_copy(conf_hbm, pv.at[pl.ds(0, MAX_IDX + 1)], sem)
        c4 = pltpu.async_copy(maxl_hbm, pv.at[pl.ds(LANES, 1)], sem)
        c1.wait()
        c2.wait()
        c3.wait()
        c4.wait()
        params = pv[pl.ds(0, LANES)]
        lane = lax.iota(jnp.int32, LANES)
        m = _vgather(pv[pl.ds(LANES, LANES)], (lane * 0)[:, None])
        two_inv_m = 2.0 / m
        two_m = m + m

        def step(i, carry):
            sl = pl.ds(i * LANES, LANES)
            idx = jnp.minimum(cv[sl], MAX_IDX)
            scale = _vgather(params, idx[:, None])
            e = jnp.exp(lv[sl] * scale * two_inv_m)
            ov[sl] = m - two_m / (e + 1.0)
            return carry

        lax.fori_loop(0, NUM_VECS, step, 0)
        pltpu.sync_copy(ov, out_hbm.at[pl.ds(base, CHUNK)])

    return body


_calibrate = _make_sc_kernel()


def kernel(logits, alt_counts, confidence, max_logit):
    counts = alt_counts.astype(jnp.int32)
    maxl = jnp.reshape(max_logit, (1,)).astype(jnp.float32)
    return _calibrate(logits.astype(jnp.float32), counts,
                      confidence.astype(jnp.float32), maxl)

# --- scband reference (transcript-rebuilt; emitter-appended) ---
"""Pipeline reference for scband-calibration-4337916969087 (READ-ONLY COPY).

The authoritative reference and input builder live on the scoring server;
editing this copy changes nothing except your own understanding.
"""

import jax, jax.numpy as jnp
import numpy as np

MAX_ALT = 10

def setup_inputs(seed: int = 0) -> dict:
    key = jax.random.key(seed)
    k1, k2 = jax.random.split(key)
    logits = jax.random.normal(k1, (16384,), dtype=jnp.float32)
    alt_counts = jax.random.randint(k2, (16384,), 0, 15, dtype=jnp.int64 if jax.config.jax_enable_x64 else jnp.int32)
    # learned parameters, initialized exactly as in the torch module
    confidence = jnp.sqrt(jnp.arange(0, MAX_ALT + 1, dtype=jnp.float32))
    max_logit = jnp.asarray(10.0, dtype=jnp.float32)
    return {"logits": logits, "alt_counts": alt_counts, "confidence": confidence, "max_logit": max_logit}

def reference(logits, alt_counts, confidence, max_logit):
    truncated_counts = jnp.minimum(alt_counts, MAX_ALT)
    scaled = logits * jnp.take(confidence, truncated_counts, axis=0)
    return max_logit * jnp.tanh(scaled / max_logit)

if __name__ == "__main__":
    import jax
    _d = setup_inputs()
    print(jax.jit(kernel)(*tuple(_d.values())))

</pallas_src>

<mosaic_0001>
#map = affine_map<(d0, d1) -> (0)>
module attributes {stable_mosaic.version = 14 : i64} {
  func.func @body(%arg0: i32, %arg1: i32, %arg2: memref<16384xf32, #tpu.memory_space<hbm>>, %arg3: memref<16384xi32, #tpu.memory_space<hbm>>, %arg4: memref<11xf32, #tpu.memory_space<hbm>>, %arg5: memref<1xf32, #tpu.memory_space<hbm>>, %arg6: memref<16384xf32, #tpu.memory_space<hbm>>, %arg7: memref<1024xf32, #tpu.memory_space<vmem>>, %arg8: memref<1024xi32, #tpu.memory_space<vmem>>, %arg9: memref<1024xf32, #tpu.memory_space<vmem>>, %arg10: memref<32xf32, #tpu.memory_space<vmem>>, %arg11: memref<!tpu.dma_semaphore, #tpu.memory_space<semaphore_mem>>) attributes {dimension_semantics = [#tpu.dimension_semantics<core_parallel>, #tpu.dimension_semantics<subcore_parallel>], iteration_bounds = array<i64: 1, 16>, scalar_prefetch = 0 : i64, scratch_operands = 5 : i64, tpu.core_type = #tpu.core_type<sc_vector_subcore>, window_params = [{transform_indices = #map}, {transform_indices = #map}, {transform_indices = #map}, {transform_indices = #map}, {transform_indices = #map}]} {
    %mul3A = arith.constant 1024 : i32
    %mul3A_0 = arith.muli %arg1, %mul3A : i32
    %dma_start3A = tpu.memref_slice %arg2[%mul3A_0] : memref<16384xf32, #tpu.memory_space<hbm>> -> memref<1024xf32, #tpu.memory_space<hbm>>
    %dma_start3A_1 = tpu.memref_slice %arg2[%mul3A_0] : memref<16384xf32, #tpu.memory_space<hbm>> -> memref<1024xf32, #tpu.memory_space<hbm>>
    tpu.enqueue_dma source(%dma_start3A_1 : memref<1024xf32, #tpu.memory_space<hbm>>) target(%arg7 : memref<1024xf32, #tpu.memory_space<vmem>>) target_semaphore(%arg11 : memref<!tpu.dma_semaphore, #tpu.memory_space<semaphore_mem>>)
    %dma_start3A_2 = tpu.memref_slice %arg3[%mul3A_0] : memref<16384xi32, #tpu.memory_space<hbm>> -> memref<1024xi32, #tpu.memory_space<hbm>>
    %dma_start3A_3 = tpu.memref_slice %arg3[%mul3A_0] : memref<16384xi32, #tpu.memory_space<hbm>> -> memref<1024xi32, #tpu.memory_space<hbm>>
    tpu.enqueue_dma source(%dma_start3A_3 : memref<1024xi32, #tpu.memory_space<hbm>>) target(%arg8 : memref<1024xi32, #tpu.memory_space<vmem>>) target_semaphore(%arg11 : memref<!tpu.dma_semaphore, #tpu.memory_space<semaphore_mem>>)
    %dma_start3A_4 = arith.constant 0 : i32
    %dma_start3A_5 = tpu.memref_slice %arg10[%dma_start3A_4] : memref<32xf32, #tpu.memory_space<vmem>> -> memref<11xf32, #tpu.memory_space<vmem>>
    %dma_start3A_6 = arith.constant 0 : i32
    %dma_start3A_7 = tpu.memref_slice %arg10[%dma_start3A_6] : memref<32xf32, #tpu.memory_space<vmem>> -> memref<11xf32, #tpu.memory_space<vmem>>
    tpu.enqueue_dma source(%arg4 : memref<11xf32, #tpu.memory_space<hbm>>) target(%dma_start3A_7 : memref<11xf32, #tpu.memory_space<vmem>>) target_semaphore(%arg11 : memref<!tpu.dma_semaphore, #tpu.memory_space<semaphore_mem>>)
    %dma_start3A_8 = arith.constant 16 : i32
    %dma_start3A_9 = tpu.memref_slice %arg10[%dma_start3A_8] : memref<32xf32, #tpu.memory_space<vmem>> -> memref<1xf32, #tpu.memory_space<vmem>>
    %dma_start3A_10 = arith.constant 16 : i32
    %dma_start3A_11 = tpu.memref_slice %arg10[%dma_start3A_10] : memref<32xf32, #tpu.memory_space<vmem>> -> memref<1xf32, #tpu.memory_space<vmem>>
    tpu.enqueue_dma source(%arg5 : memref<1xf32, #tpu.memory_space<hbm>>) target(%dma_start3A_11 : memref<1xf32, #tpu.memory_space<vmem>>) target_semaphore(%arg11 : memref<!tpu.dma_semaphore, #tpu.memory_space<semaphore_mem>>)
    %dma_wait3A = tpu.memref_slice %arg2[%mul3A_0] : memref<16384xf32, #tpu.memory_space<hbm>> -> memref<1024xf32, #tpu.memory_space<hbm>>
    %dma_wait3A_12 = tpu.memref_slice %arg2[%mul3A_0] : memref<16384xf32, #tpu.memory_space<hbm>> -> memref<1024xf32, #tpu.memory_space<hbm>>
    tpu.wait_dma2 semaphore(%arg11 : memref<!tpu.dma_semaphore, #tpu.memory_space<semaphore_mem>>) src(%dma_wait3A_12 : memref<1024xf32, #tpu.memory_space<hbm>>) dst(%arg7 : memref<1024xf32, #tpu.memory_space<vmem>>)
    %dma_wait3A_13 = tpu.memref_slice %arg3[%mul3A_0] : memref<16384xi32, #tpu.memory_space<hbm>> -> memref<1024xi32, #tpu.memory_space<hbm>>
    %dma_wait3A_14 = tpu.memref_slice %arg3[%mul3A_0] : memref<16384xi32, #tpu.memory_space<hbm>> -> memref<1024xi32, #tpu.memory_space<hbm>>
    tpu.wait_dma2 semaphore(%arg11 : memref<!tpu.dma_semaphore, #tpu.memory_space<semaphore_mem>>) src(%dma_wait3A_14 : memref<1024xi32, #tpu.memory_space<hbm>>) dst(%arg8 : memref<1024xi32, #tpu.memory_space<vmem>>)
    %dma_wait3A_15 = arith.constant 0 : i32
    %dma_wait3A_16 = tpu.memref_slice %arg10[%dma_wait3A_15] : memref<32xf32, #tpu.memory_space<vmem>> -> memref<11xf32, #tpu.memory_space<vmem>>
    %dma_wait3A_17 = arith.constant 0 : i32
    %dma_wait3A_18 = tpu.memref_slice %arg10[%dma_wait3A_17] : memref<32xf32, #tpu.memory_space<vmem>> -> memref<11xf32, #tpu.memory_space<vmem>>
    tpu.wait_dma2 semaphore(%arg11 : memref<!tpu.dma_semaphore, #tpu.memory_space<semaphore_mem>>) src(%arg4 : memref<11xf32, #tpu.memory_space<hbm>>) dst(%dma_wait3A_18 : memref<11xf32, #tpu.memory_space<vmem>>)
    %dma_wait3A_19 = arith.constant 16 : i32
    %dma_wait3A_20 = tpu.memref_slice %arg10[%dma_wait3A_19] : memref<32xf32, #tpu.memory_space<vmem>> -> memref<1xf32, #tpu.memory_space<vmem>>
    %dma_wait3A_21 = arith.constant 16 : i32
    %dma_wait3A_22 = tpu.memref_slice %arg10[%dma_wait3A_21] : memref<32xf32, #tpu.memory_space<vmem>> -> memref<1xf32, #tpu.memory_space<vmem>>
    tpu.wait_dma2 semaphore(%arg11 : memref<!tpu.dma_semaphore, #tpu.memory_space<semaphore_mem>>) src(%arg5 : memref<1xf32, #tpu.memory_space<hbm>>) dst(%dma_wait3A_22 : memref<1xf32, #tpu.memory_space<vmem>>)
    %get3A = arith.constant 0 : index
    %get3A_23 = tpu.vector_load %arg10[%get3A] {strides = array<i32>} : memref<32xf32, #tpu.memory_space<vmem>>, vector<16xf32>,
    %get3A_24 = vector.shape_cast %get3A_23 : vector<16xf32> to vector<16xf32>
    %iota3A = tpu.iota {dimensions = array<i32: 0>} : vector<16xi32>
    %get3A_25 = arith.constant 16 : index
    %get3A_26 = tpu.vector_load %arg10[%get3A_25] {strides = array<i32>} : memref<32xf32, #tpu.memory_space<vmem>>, vector<16xf32>,
    %get3A_27 = vector.shape_cast %get3A_26 : vector<16xf32> to vector<16xf32>
    %mul3A_28 = arith.constant 0 : i32
    %mul3A_29 = vector.broadcast %mul3A_28 : i32 to vector<16xi32>
    %mul3A_30 = arith.muli %iota3A, %mul3A_29 : vector<16xi32>
    %broadcast_in_dim3A = vector.shape_cast %mul3A_30 : vector<16xi32> to vector<16x1xi32>
    %gather3A = vector.shape_cast %broadcast_in_dim3A : vector<16x1xi32> to vector<16xi32>
    %gather3A_31 = tpu.dynamic_gather %get3A_27[%gather3A] in [0] : vector<16xf32>, vector<16xi32> -> vector<16xf32>
    %div3A = arith.constant 2.000000e+00 : f32
    %div3A_32 = vector.broadcast %div3A : f32 to vector<16xf32>
    %div3A_33 = arith.divf %div3A_32, %gather3A_31 : vector<16xf32>
    %add3A = arith.addf %gather3A_31, %gather3A_31 : vector<16xf32>
    %scan3A = arith.constant 0 : i32
    %scan3A_34 = arith.constant 0 : i32
    %scan3A_35 = arith.constant 64 : i32
    %scan3A_36 = arith.addi %scan3A_34, %scan3A_35 : i32
    %scan3A_37 = arith.constant 1 : i32
    scf.for %scan3A_39 = %scan3A_34 to %scan3A_36 step %scan3A_37  : i32 {
      %mul3A_40 = arith.constant 16 : i32
      %mul3A_41 = arith.muli %scan3A_39, %mul3A_40 : i32
      %get3A_42 = arith.index_cast %mul3A_41 : i32 to index
      %get3A_43 = tpu.vector_load %arg8[%get3A_42] {strides = array<i32>} : memref<1024xi32, #tpu.memory_space<vmem>>, vector<16xi32>,
      %get3A_44 = vector.shape_cast %get3A_43 : vector<16xi32> to vector<16xi32>
      %min3A = arith.constant 10 : i32
      %min3A_45 = vector.broadcast %min3A : i32 to vector<16xi32>
      %min3A_46 = arith.minsi %get3A_44, %min3A_45 : vector<16xi32>
      %broadcast_in_dim3A_47 = vector.shape_cast %min3A_46 : vector<16xi32> to vector<16x1xi32>
      %gather3A_48 = vector.shape_cast %broadcast_in_dim3A_47 : vector<16x1xi32> to vector<16xi32>
      %gather3A_49 = tpu.dynamic_gather %get3A_24[%gather3A_48] in [0] : vector<16xf32>, vector<16xi32> -> vector<16xf32>
      %get3A_50 = arith.index_cast %mul3A_41 : i32 to index
      %get3A_51 = tpu.vector_load %arg7[%get3A_50] {strides = array<i32>} : memref<1024xf32, #tpu.memory_space<vmem>>, vector<16xf32>,
      %get3A_52 = vector.shape_cast %get3A_51 : vector<16xf32> to vector<16xf32>
      %mul3A_53 = arith.mulf %get3A_52, %gather3A_49 : vector<16xf32>
      %mul3A_54 = arith.mulf %mul3A_53, %div3A_33 : vector<16xf32>
      %exp3A = math.exp %mul3A_54 : vector<16xf32>
      %add3A_55 = arith.constant 1.000000e+00 : f32
      %add3A_56 = vector.broadcast %add3A_55 : f32 to vector<16xf32>
      %add3A_57 = arith.addf %exp3A, %add3A_56 : vector<16xf32>
      %div3A_58 = arith.divf %add3A, %add3A_57 : vector<16xf32>
      %sub3A = arith.subf %gather3A_31, %div3A_58 : vector<16xf32>
      %swap3A = arith.index_cast %mul3A_41 : i32 to index
      %swap3A_59 = tpu.vector_load %arg9[%swap3A] {strides = array<i32>} : memref<1024xf32, #tpu.memory_space<vmem>>, vector<16xf32>,
      %swap3A_60 = vector.shape_cast %swap3A_59 : vector<16xf32> to vector<16xf32>
      %swap3A_61 = vector.shape_cast %sub3A : vector<16xf32> to vector<16xf32>
      tpu.vector_store %arg9[%swap3A], %swap3A_61 {strides = array<i32>} : memref<1024xf32, #tpu.memory_space<vmem>>, vector<16xf32>,
    }
    %scan3A_38 = arith.constant 64 : i32
    "tpu.region"() ({
      %run_scoped3A = tpu.sem_alloc : memref<!tpu.dma_semaphore, #tpu.memory_space<semaphore_mem>>
      %dma_start3A_39 = tpu.memref_slice %arg6[%mul3A_0] : memref<16384xf32, #tpu.memory_space<hbm>> -> memref<1024xf32, #tpu.memory_space<hbm>>
      %dma_start3A_40 = tpu.memref_slice %arg6[%mul3A_0] : memref<16384xf32, #tpu.memory_space<hbm>> -> memref<1024xf32, #tpu.memory_space<hbm>>
      tpu.enqueue_dma source(%arg9 : memref<1024xf32, #tpu.memory_space<vmem>>) target(%dma_start3A_40 : memref<1024xf32, #tpu.memory_space<hbm>>) target_semaphore(%run_scoped3A : memref<!tpu.dma_semaphore, #tpu.memory_space<semaphore_mem>>)
      %dma_wait3A_41 = tpu.memref_slice %arg6[%mul3A_0] : memref<16384xf32, #tpu.memory_space<hbm>> -> memref<1024xf32, #tpu.memory_space<hbm>>
      %dma_wait3A_42 = tpu.memref_slice %arg6[%mul3A_0] : memref<16384xf32, #tpu.memory_space<hbm>> -> memref<1024xf32, #tpu.memory_space<hbm>>
      tpu.wait_dma2 semaphore(%run_scoped3A : memref<!tpu.dma_semaphore, #tpu.memory_space<semaphore_mem>>) src(%arg9 : memref<1024xf32, #tpu.memory_space<vmem>>) dst(%dma_wait3A_42 : memref<1024xf32, #tpu.memory_space<hbm>>)
      tpu.yield
    }) : () -> ()
    return
  }
}

</mosaic_0001>

<sc_bundles>
// kernel: kernel.3.cloned.1.call-start
scs
__scs_entry_jumppad:
0x0: {  	(pc) =	sbr.rel $0x88, $3  }
0x1: {  	(tag) =	ssettag $0x0;
	lr =	simm.s32 $0x1  }
0x2: {  	[smem:$0x3F9D] =	sst lr;
	_ =	strace $0xD0000000  }
0x3: {  	_ = 	snop  }
0x4: {  	_ = 	snop  }
0x5: {  	_ = 	snop  }
0x6: {  	_ = 	snop  }
0x7: {  	_ = 	snop  }
__scs_overlays_trampoline_lowered:
0x8: {  	[smem:$0x3FAC] =	sst s0  }
0x9: {  	[smem:$0x3FAD] =	sst s1  }
0xa: {  	[smem:$0x3FAE] =	sst s2  }
0xb: {  	[smem:$0x3FAF] =	sst s3  }
0xc: {  	[smem:$0x3FB0] =	sst s4  }
0xd: {  	[smem:$0x3FB1] =	sst s5  }
0xe: {  	[smem:$0x3FB2] =	sst s6  }
0xf: {  	[smem:$0x3FB3] =	sst s7  }
0x10: {  	[smem:$0x3FB4] =	sst s8  }
0x11: {  	[smem:$0x3FB5] =	sst s9;
	s0 =	simm.s32 @!p0 $0x0  }
0x12: {  	s1 =	sld [smem:$0x3F9B];
	s0 =	simm.s32 @p0 $0x1  }
0x13: {  	[smem:$0x3FB6] =	sst s0;
	s0 =	simm.s32 @!p1 $0x0  }
0x14: {  	s2 =	sld [smem:$0x3F9A];
	s0 =	simm.s32 @p1 $0x1  }
0x15: {  	[smem:$0x3FB7] =	sst s0;
	s0 =	simm.s32 @!p2 $0x0  }
0x16: {  	s3 =	sld [smem:$0x3FDB];
	s0 =	simm.s32 @p2 $0x1  }
0x17: {  	s4 =	simm.s32 $0x1BF5;
	[smem:$0x3FB9] =	sst s0  }
0x18: {  	s0 =	sld [smem:$0x3F9C];
	_ =	swait.ge [sflag:s4], $0x0  }
0x19: {  	s7 =	sld [smem:$0x3F9D]  }
0x1a: {  	s8 =	sadd.s32 $0xFFFFE003, lr  }
0x1b: {  	s9 =	sadd.s32 $0xFFFFFEF7, lr;
	s5 =	simm.s32 $0xFFFFFFFF;
	p2 =	slt.u32 s8, $0xFFFFF086  }
0x1c: {  	p1 =	slt.u32 s9, $0xF7A;
	s5 =	simm.s32 @!p2 $0x0  }
0x1d: {  	s5 =	simm.s32 @p1 $0x1;
	p0 =	seq.s32 s7, s2  }
0x1e: {  	s7 =	smul.u32 @!p0 $0xF7A, s2;
	p2 =	seq.s32 @!p0 s5, $0x0  }
0x1f: {  	s9 =	smul.u32 $0xF7A, s1;
	s8 =	simm.s32 @!p0 $0x1BF5;
	p2 =	por !p2, p0  }
0x20: {  	[sflag:s8] =	ssyncset.s32 @!p0 $0xFFFFF086;
	s6 =	sadd.s32 @!p0 s3, s7;
	s7 =	simm.s32 @!p0 $0x108  }
0x21: {  	s3 =	sadd.s32 s3, s9;
	s6 =	sadd.s32 @!p0 $0x88, s6;
	s7 =	simm.s32 @p2 $0x1082  }
0x22: {  	[simem:s7], [sflag:s8] =	dma.local @!p0 [hbm:s6], $0xF7A  }
0x23: {  	s9 =	sor.u32 $0xD0000000, s2;
	s6 =	simm.s32 $0x108;
	_ =	swait.ge @!p0 [sflag:s8], $0x0  }
0x24: {  	s3 =	sadd.s32 $0x88, s3;
	s6 =	simm.s32 @!p1 $0x1082;
	[sflag:s4] =	ssyncset.s32 $0xFFFFF086  }
0x25: {  	[simem:s6], [sflag:s4] =	dma.local [hbm:s3], $0xF7A  }
0x26: {  	[smem:$0x3F9D] =	sst s1;
	(tag) =	ssettag s2;
	_ =	strace s9  }
0x27: {  	s1 =	sld [smem:$0x3FAD]  }
0x28: {  	s2 =	sld [smem:$0x3FAE]  }
0x29: {  	s4 =	sld [smem:$0x3FB0]  }
0x2a: {  	p0 =	seq.s32 s5, $0x0;
	s5 =	sld [smem:$0x3FB1]  }
0x2b: {  	s6 =	sld [smem:$0x3FB2]  }
0x2c: {  	s7 =	sld [smem:$0x3FB3]  }
0x2d: {  	s3 =	simm.s32 $0x108;
	s8 =	sld [smem:$0x3FB4]  }
0x2e: {  	s3 =	simm.s32 @!p0 $0x1082;
	s9 =	sld [smem:$0x3FB5]  }
0x2f: {  	lr =	sadd.s32 s0, s3;
	s0 =	sld [smem:$0x3FAC]  }
0x30: {  	s3 =	sld [smem:$0x3FAF]  }
0x31: {  	[smem:$0x3FB8] =	sst s10  }
0x32: {  	s10 =	sld [smem:$0x3FB6];
	_ =	sdelay $0x3  }
0x33: {  	p0 =	seq.s32 s10, $0x1;
	s10 =	sld [smem:$0x3FB8];
	_ =	sdelay $0x3  }
0x34: {  	[smem:$0x3FB8] =	sst s10  }
0x35: {  	s10 =	sld [smem:$0x3FB7];
	_ =	sdelay $0x3  }
0x36: {  	p1 =	seq.s32 s10, $0x1;
	s10 =	sld [smem:$0x3FB8];
	_ =	sdelay $0x3  }
0x37: {  	[smem:$0x3FB8] =	sst s10  }
0x38: {  	s10 =	sld [smem:$0x3FB9]  }
0x39: {  	_ = 	snop;
	(pc) =	sbr.ind lr, $3  }
0x3a: {  	_ = 	snop  }
0x3b: {  	_ = 	snop  }
0x3c: {  	p2 =	seq.s32 s10, $0x1;
	s10 =	sld [smem:$0x3FB8]  }
0x3d: {  	_ =	shalt  }
0x3e: {  	_ =	shalt  }
0x3f: {  	_ =	shalt  }
0x40: {  	_ =	shalt  }
0x41: {  	_ =	shalt  }
0x42: {  	_ =	shalt  }
0x43: {  	_ =	shalt  }
0x44: {  	_ =	shalt  }
0x45: {  	_ =	shalt  }
0x46: {  	_ =	shalt  }
0x47: {  	_ =	shalt  }
0x48: {  	_ =	shalt  }
0x49: {  	_ =	shalt  }
0x4a: {  	_ =	shalt  }
0x4b: {  	_ =	shalt  }
0x4c: {  	_ =	shalt  }
0x4d: {  	_ =	shalt  }
0x4e: {  	_ =	shalt  }
0x4f: {  	_ =	shalt  }
0x50: {  	_ =	shalt  }
0x51: {  	_ =	shalt  }
0x52: {  	_ =	shalt  }
0x53: {  	_ =	shalt  }
0x54: {  	_ =	shalt  }
0x55: {  	_ =	shalt  }
0x56: {  	_ =	shalt  }
0x57: {  	_ =	shalt  }
0x58: {  	_ =	shalt  }
0x59: {  	_ =	shalt  }
0x5a: {  	_ =	shalt  }
0x5b: {  	_ =	shalt  }
0x5c: {  	_ =	shalt  }
0x5d: {  	_ =	shalt  }
0x5e: {  	_ =	shalt  }
0x5f: {  	_ =	shalt  }
0x60: {  	_ =	shalt  }
0x61: {  	_ =	shalt  }
0x62: {  	_ =	shalt  }
0x63: {  	_ =	shalt  }
0x64: {  	_ =	shalt  }
0x65: {  	_ =	shalt  }
0x66: {  	_ =	shalt  }
0x67: {  	_ =	shalt  }
0x68: {  	_ =	shalt  }
0x69: {  	_ =	shalt  }
0x6a: {  	_ =	shalt  }
0x6b: {  	_ =	shalt  }
0x6c: {  	_ =	shalt  }
0x6d: {  	_ =	shalt  }
0x6e: {  	_ =	shalt  }
0x6f: {  	_ =	shalt  }
0x70: {  	_ =	shalt  }
0x71: {  	_ =	shalt  }
0x72: {  	_ =	shalt  }
0x73: {  	_ =	shalt  }
0x74: {  	_ =	shalt  }
0x75: {  	_ =	shalt  }
0x76: {  	_ =	shalt  }
0x77: {  	_ =	shalt  }
0x78: {  	_ =	shalt  }
0x79: {  	_ =	shalt  }
0x7a: {  	_ =	shalt  }
0x7b: {  	_ =	shalt  }
0x7c: {  	_ =	shalt  }
0x7d: {  	_ =	shalt  }
0x7e: {  	_ =	shalt  }
0x7f: {  	_ =	shalt  }
0x80: {  	_ =	shalt  }
0x81: {  	_ =	shalt  }
0x82: {  	_ =	shalt  }
0x83: {  	_ =	shalt  }
0x84: {  	_ =	shalt  }
0x85: {  	_ =	shalt  }
0x86: {  	_ =	shalt  }
0x87: {  	_ =	shalt  }
.Lfunc_end0:
.L_simem_size_0:
called_computation_lowered:
.L_overlay_start_0:
0x88: {  	s0 =	sld [smem:$0x3FD9]  }
0x89: {  	s1 =	sld [smem:$0x3FFE];
	_ =	sdelay $0x3  }
0x8a: {  	s0 =	sadd.s32 s1, s0  }
0x8b: {  	[smem:$0x3FC4] =	sst s0  }
0x8c: {  	_ = 	snop  }
0x8d: {  	s0 =	sld [smem:$0x3FC9]  }
0x8e: {  	s17 =	sld [smem:$0x3FC8]  }
0x8f: {  	s2 =	sld [smem:$0x3FC7]  }
0x90: {  	s3 =	sld [smem:$0x3FC6]  }
0x91: {  	s4 =	sld [smem:$0x3FD0];
	(tm) =	ssettm $0x1  }
0x92: {  	s5 =	sld [smem:$0x3FFB];
	_ =	sdelay $0x3  }
0x93: {  	_ =	strace s5  }
0x94: {  	s5 =	sld [smem:$0x3FFC];
	_ =	sdelay $0x3  }
0x95: {  	_ =	strace s5  }
0x96: {  	s5 =	sld [smem:$0x3FFD];
	_ =	sdelay $0x3  }
0x97: {  	_ =	strace s5  }
0x98: {  	_ =	strace $0x8FFFFFFF  }
0x99: {  	s18 =	sld [smem:$0x3FDB];
	_ =	sdelay $0x1  }
0x9a: {  	s6 =	simm.s32 $_scs_section_size  }
0x9b: {  	s7 =	simm.s32 $_size__tile_overlayer_lowered;
	s8 =	simm.s32 $_tile_overlayer_lowered  }
0x9c: {  	s21 =	simm.s32 $0x1BFF;
	s20 =	sshll.u32 s8, $0x1;
	s5 =	sadd.s32 s6, s18  }
0x9d: {  	s9 =	simm.s32 $0x0;
	s19 =	sshll.u32 s7, $0x1;
	s7 =	sadd.s32 s20, s5  }
0x9e: {  	[timem:s9], [sflag:s21] =	dma.local [hbm:s7], s19  }
0x9f: {  	_ =	swait.ge [sflag:s21], s19  }
0xa0: {  	s6 =	ssub.s32 $0x0, s19;
	[sflag:s21] =	ssyncset.done $0x0  }
0xa1: {  	[sflag:s21] =	ssyncadd.s32 s6;
	_ =	sdelay $0x1  }
0xa2: {  	s22 =	simm.s32 $0x1B8B  }
0xa3: {  	_ =	swait.ge [sflag:s22], $0x1  }
0xa4: {  	[sflag:s22] =	ssyncset.done $0x0  }
0xa5: {  	s23 =	simm.s32 $0x1B8E;
	[sflag:s22] =	ssyncadd.s32 $0xFFFFFFFF  }
0xa6: {  	s24 =	simm.s32 $execute0_lowered;
	[smem:$0x3FD2] =	sst s23  }
0xa7: {  	s6 =	sshll.u32 s24, $0x1;
	_ =	strace $0x80000046;
	[dreg:$0x1] =	wrdreg $0xFFFFFFFF  }
0xa8: {  	s25 =	simm.s32 $_size_execute0_lowered;
	s5 =	sadd.s32 s5, s6;
	[dreg:$0x0] =	wrdreg $0x0  }
0xa9: {  	s6 =	sshll.u32 s25, $0x1;
	[dreg:$0x2] =	wrdreg s5  }
0xaa: {  	[dreg:$0x3] =	wrdreg s6  }
0xab: {  	[dreg:$0x4] =	wrdreg $0xC0  }
0xac: {  	_ =	task [dreg:s9], $0x5FFFF  }
0xad: {  	[dreg:$0x1] =	wrdreg $0xFFFFFFFF  }
0xae: {  	[dreg:$0x0] =	wrdreg $0x60  }
0xaf: {  	[dreg:$0x2] =	wrdreg s0  }
0xb0: {  	[dreg:$0x3] =	wrdreg s17  }
0xb1: {  	[dreg:$0x4] =	wrdreg s2  }
0xb2: {  	[dreg:$0x5] =	wrdreg s3  }
0xb3: {  	[dreg:$0x6] =	wrdreg s4  }
0xb4: {  	[dreg:$0x7] =	wrdreg $0x9  }
0xb5: {  	_ =	task.clear_ibuf [dreg:s9], $0x8FFFF;
	_ =	strace $0x90000046  }
0xb6: {  	s26 =	simm.s32 $0x9;
	_ =	strace $0x80000048  }
0xb7: {  	_ =	swait.ge [sflag:s26], $0x1  }
0xb8: {  	[sflag:s26] =	ssyncadd.s32 $0xFFFFFFFF  }
0xb9: {  	_ =	strace $0x90000048  }
0xba: {  	_ =	sfence  }
0xbb: {  	s28 =	sld [smem:$0x0];
	_ =	sdelay $0x1  }
0xbc: {  	s29 =	srdreg.scid  }
0xbd: {  	s30 =	sshll.u32 s29, $0xD;
	s31 =	sshrl.u32 s29, $0x2  }
0xbe: {  	s1 =	sand.u32 $0x1, s29;
	s2 =	sand.u32 $0x4000, s30;
	s0 =	sadd.s32 s31, s28  }
0xbf: {  	s1 =	sor.u32 s2, s1;
	s0 =	sshll.u32 s0, $0x11  }
0xc0: {  	s0 =	sor.u32 s0, s1  }
0xc1: {  	s0 =	sadd.s32 $0x8F2B, s0  }
0xc2: {  	[sflag:s0] =	ssyncadd.remote.s32 $0x1  }
0xc3: {  	_ =	sfence.sel $0xFFFF  }
0xc4: {  	[dreg:$0x0] =	wrdreg $0xFFFFFFFF;
	(pc) =	sbr.abs _section_cstart, $3  }
0xc5: {  	[dreg:$0x1] =	wrdreg $0xFFFFFFFF  }
0xc6: {  	_ =	task.clear_ibuf [dreg:s9], $0x2FFFF;
	_ =	strace $0x9FFFFFFF  }
0xc7: {  	(tm) =	ssettm $0x7FFFFFFF  }
tec
execute0_lowered:
.L_overlay_start_1:
0x0: {  	(tag) =	ssettag $0x1  }
0x1: {  	s4 =	rddreg [dreg:$0x0]  }
0x2: {  	s5 =	rddreg [dreg:$0x1]  }
0x3: {  	s6 =	rddreg [dreg:$0x2]  }
0x4: {  	s7 =	rddreg [dreg:$0x3]  }
0x5: {  	s2 =	rddreg [dreg:$0x4];
	s8 =	simm.s32 $0x0;
	s1 =	stileid.u32  }
0x6: {  	[smem:$0x7FF] =	sst s8;
	s3 =	sshll.u32 s1, $0x7  }
0x7: {  	s0 =	rddreg [dreg:$0x5];
	_ =	strace $0x80000047;
	s4 =	sadd.s32 s4, s3  }
0x8: {  	[tilespmem:s8], [sflag:$0x1] =	stream.linear.gather [hbm4b:s4+s8], $0x400, $0x38;
	[tilespmem:$0xC80] =	vst v63  }
0x9: {  	s28 =	simm.s32 $0x400;
	s26 =	sadd.s32 s5, s3  }
0xa: {  	[tilespmem:s28], [sflag:$0x1] =	stream.linear.gather [hbm4b:s26+s8], $0x400, $0x38;
	[tilespmem:$0xC80] =	vst v63  }
0xb: {  	s29 =	simm.s32 $0xC00  }
0xc: {  	[tilespmem:s29], [sflag:$0x1] =	stream.linear.gather [hbm4b:s6+s8], $0xB, $0x38;
	[tilespmem:$0xC80] =	vst v63  }
0xd: {  	s30 =	simm.s32 $0xC10;
	s31 =	simm.s32 $0x1  }
0xe: {  	[tilespmem:s30], [sflag:$0x1] =	stream.linear.gather [hbm4b:s7+s8], $0x1, $0x38;
	[tilespmem:$0xC80] =	vst v63  }
0xf: {  	_ =	swait.ge [sflag:s31], $0x400  }
0x10: {  	[sflag:s31] =	ssyncset.done $0x0  }
0x11: {  	[sflag:s31] =	ssyncadd.s32 $0xFFFFFC00  }
0x12: {  	_ =	swait.ge [sflag:s31], $0x400  }
0x13: {  	[sflag:s31] =	ssyncset.done $0x0  }
0x14: {  	[sflag:s31] =	ssyncadd.s32 $0xFFFFFC00  }
0x15: {  	_ =	swait.ge [sflag:s31], $0xB  }
0x16: {  	[sflag:s31] =	ssyncset.done $0x0  }
0x17: {  	[sflag:s31] =	ssyncadd.s32 $0xFFFFFFF5  }
0x18: {  	_ =	swait.ge [sflag:s31], $0x1  }
0x19: {  	[sflag:s31] =	ssyncset.done $0x0  }
0x1a: {  	[sflag:s31] =	ssyncadd.s32 $0xFFFFFFFF  }
0x1b: {  	v0 =	vld [tilespmem:$0xC10];
	_ =	sdelay $0x3  }
0x1c: {  	v1 =	vimm.s32 $0x0  }
0x1d: {  	v0 =	vperm.xlane v0, v1  }
0x1e: {  	s4 =	simm.s32 $0x0  }
0x1f: {  	v2 =	vld [tilespmem:s4+$0x400];
	(erf) = vrcp.f32 v0;
	_ =	sdelay $0x2  }
0x20: {  	v1 =	vld [tilespmem:$0xC00];
	_ =	sdelay $0x1  }
0x21: {  	v3 =	vld [tilespmem:s4+$0x0];
	vm0 =	vlt.s32 v2, $0xA  }
0x22: {  	v2 =	vnsel vm0, $0xA, v2;
	_ =	sdelay $0x1  }
0x23: {  	s5 =	simm.s32 $0x10;
	v4 =	vperm.xlane v1, v2  }
0x24: {  	v5 =	vld [tilespmem:s5+$0x400];
	v2 =	vpop (erf)  }
0x25: {  	v3 =	vmul.f32 v3, v4;
	v2 =	vadd.f32 v2, v2  }
0x26: {  	s6 =	simm.s32 $0x20  }
0x27: {  	v4 =	vld [tilespmem:s6+$0x400];
	v3 =	vmul.f32 v3, v2  }
0x28: {  	v6 =	vld [tilespmem:s5+$0x0]  }
0x29: {  	vm11 =	vlt.s32 v5, $0xA;
	v3 =	vmul.f32 $1.442695020e+00, v3  }
0x2a: {  	v5 =	vnsel vm11, $0xA, v5  }
0x2b: {  	v5 =	vperm.xlane v1, v5;
	(erf) = vpow2.f32 v3;
	v3 =	vld [tilespmem:s6+$0x0]  }
0x2c: {  	vm12 =	vlt.s32 v4, $0xA  }
0x2d: {  	v5 =	vmul.f32 v6, v5;
	v4 =	vnsel vm12, $0xA, v4  }
0x2e: {  	s7 =	simm.s32 $0x30;
	v4 =	vperm.xlane v1, v4  }
0x2f: {  	v6 =	vld [tilespmem:s7+$0x400];
	v5 =	vmul.f32 v5, v2  }
0x30: {  	v3 =	vmul.f32 v3, v4  }
0x31: {  	s8 =	simm.s32 $0x40;
	v4 =	vmul.f32 $1.442695020e+00, v5  }
0x32: {  	v5 =	vld [tilespmem:s8+$0x400];
	v3 =	vmul.f32 v3, v2  }
0x33: {  	(erf) = vpow2.f32 v4;
	v4 =	vld [tilespmem:s7+$0x0]  }
0x34: {  	vm13 =	vlt.s32 v6, $0xA;
	v3 =	vmul.f32 $1.442695020e+00, v3  }
0x35: {  	v6 =	vnsel vm13, $0xA, v6  }
0x36: {  	v7 =	vpop (erf);
	(erf) = vpow2.f32 v3;
	v3 =	vperm.xlane v1, v6  }
0x37: {  	v7 =	vadd.f32 $1.000000000e+00, v7;
	v6 =	vld [tilespmem:s8+$0x0]  }
0x38: {  	vm14 =	vlt.s32 v5, $0xA;
	v3 =	vmul.f32 v4, v3  }
0x39: {  	(erf) = vrcp.f32 v7;
	v4 =	vnsel vm14, $0xA, v5  }
0x3a: {  	s9 =	simm.s32 $0x50;
	v4 =	vperm.xlane v1, v4;
	v3 =	vmul.f32 v3, v2  }
0x3b: {  	v5 =	vld [tilespmem:s9+$0x400]  }
0x3c: {  	v4 =	vmul.f32 v6, v4;
	v7 =	vmul.f32 $1.442695020e+00, v3  }
0x3d: {  	v6 =	vpop (erf)  }
0x3e: {  	v6 =	vadd.f32 $1.000000000e+00, v6;
	v4 =	vmul.f32 v4, v2  }
0x3f: {  	(erf) = vpow2.f32 v7  }
0x40: {  	v8 =	vld [tilespmem:s9+$0x0];
	vm15 =	vlt.s32 v5, $0xA;
	(erf) = vrcp.f32 v6;
	v4 =	vmul.f32 $1.442695020e+00, v4;
	v7 =	vpop (erf)  }
0x41: {  	s10 =	simm.s32 $0x60;
	v5 =	vnsel vm15, $0xA, v5;
	v10 =	vadd.f32 $1.000000000e+00, v7  }
0x42: {  	v3 =	vadd.f32 v0, v0;
	v9 =	vperm.xlane v1, v5;
	v5 =	vld [tilespmem:s10+$0x400];
	v6 =	vpop (erf);
	(erf) = vpow2.f32 v4  }
0x43: {  	(erf) = vrcp.f32 v10  }
0x44: {  	v11 =	vmul.f32 v6, v3  }
0x45: {  	v7 =	vmul.f32 v8, v9  }
0x46: {  	s11 =	simm.s32 $0x1C0;
	v6 =	vld [tilespmem:s10+$0x0];
	v4 =	vsub.f32 v0, v11  }
.LBB2_1:
0x47: {  	s12 =	sshra.s32 s11, $0x2;
	vm0 =	vlt.s32 v5, $0xA;
	v10 =	vmul.f32 v7, v2;
	p0 =	sne.s32 s11, $0xFC0  }
.Ltmp0:
0x48: {  	s11 =	sadd.s32 $0x40, s11;
	v8 =	vnsel vm0, $0xA, v5;
	v5 =	vld [tilespmem:s12+$0x400];
	v9 =	vpop (erf);
	[tilespmem:s4+$0x800] =	vst v4;
	(pc) =	sbr.rel @p0 .LBB2_1-.Ltmp0, $4  }
0x49: {  	s4 =	smov.u32 s5;
	s5 =	smov.u32 s6;
	s6 =	smov.u32 s7;
	v4 =	vperm.xlane v1, v8;
	v8 =	vmul.f32 $1.442695020e+00, v10;
	v7 =	vpop (erf)  }
0x4a: {  	s7 =	smov.u32 s8;
	s8 =	smov.u32 s9;
	s9 =	smov.u32 s10;
	v9 =	vadd.f32 $1.000000000e+00, v9;
	v10 =	vmul.f32 v7, v3  }
0x4b: {  	s10 =	smov.u32 s12;
	v7 =	vmul.f32 v6, v4;
	(erf) = vpow2.f32 v8  }
0x4c: {  	v6 =	vld [tilespmem:s10+$0x0];
	(erf) = vrcp.f32 v9;
	v4 =	vsub.f32 v0, v10  }
0x4d: {  	vm0 =	vlt.s32 v5, $0xA  }
0x4e: {  	v5 =	vnsel vm0, $0xA, v5  }
0x4f: {  	v1 =	vperm.xlane v1, v5;
	_ =	sdelay $0x1  }
0x50: {  	v43 =	vmul.f32 v7, v2;
	v1 =	vmul.f32 v6, v1;
	_ =	sdelay $0x1  }
0x51: {  	v44 =	vpop (erf);
	v5 =	vmul.f32 $1.442695020e+00, v43;
	v1 =	vmul.f32 v1, v2  }
0x52: {  	v45 =	vadd.f32 $1.000000000e+00, v44  }
0x53: {  	(erf) = vpow2.f32 v5;
	v1 =	vmul.f32 $1.442695020e+00, v1  }
0x54: {  	(erf) = vrcp.f32 v45  }
0x55: {  	(erf) = vpow2.f32 v1;
	_ =	sdelay $0x3  }
0x56: {  	v46 =	vpop (erf)  }
0x57: {  	v47 =	vpop (erf)  }
0x58: {  	v48 =	vpop (erf)  }
0x59: {  	v49 =	vpop (erf)  }
0x5a: {  	v2 =	vadd.f32 $1.000000000e+00, v47;
	v50 =	vpop (erf)  }
0x5b: {  	v6 =	vadd.f32 $1.000000000e+00, v49;
	v8 =	vpop (erf)  }
0x5c: {  	(erf) = vrcp.f32 v2;
	v51 =	vadd.f32 $1.000000000e+00, v8  }
0x5d: {  	(erf) = vrcp.f32 v6  }
0x5e: {  	(erf) = vrcp.f32 v51;
	_ =	sdelay $0x4  }
0x5f: {  	v1 =	vmul.f32 v46, v3  }
0x60: {  	v52 =	vmul.f32 v48, v3  }
0x61: {  	v1 =	vsub.f32 v0, v1;
	v53 =	vmul.f32 v50, v3;
	v54 =	vpop (erf)  }
0x62: {  	[tilespmem:s4+$0x800] =	vst v4;
	v2 =	vsub.f32 v0, v52;
	v55 =	vmul.f32 v54, v3;
	v56 =	vpop (erf)  }
0x63: {  	[tilespmem:s5+$0x800] =	vst v1;
	v57 =	vsub.f32 v0, v53;
	v58 =	vmul.f32 v56, v3;
	v59 =	vpop (erf)  }
0x64: {  	[tilespmem:s6+$0x800] =	vst v2;
	v60 =	vsub.f32 v0, v55;
	v61 =	vmul.f32 v59, v3  }
0x65: {  	[tilespmem:s7+$0x800] =	vst v57;
	v62 =	vsub.f32 v0, v58  }
0x66: {  	[tilespmem:s8+$0x800] =	vst v60;
	v63 =	vsub.f32 v0, v61  }
0x67: {  	s2 =	sadd.s32 s2, s3;
	[tilespmem:s9+$0x800] =	vst v62  }
0x68: {  	s29 =	simm.s32 $0x0;
	s30 =	simm.s32 $0x800;
	s31 =	simm.s32 $0x2;
	[tilespmem:s10+$0x800] =	vst v63  }
0x69: {  	[hbm4b:s2+s29] =	stream.linear.scatter [tilespmem:s30], [sflag:$0x2], $0x400, $0x38;
	[tilespmem:$0xC80] =	vst v63  }
0x6a: {  	_ =	swait.ge [sflag:s31], $0x400  }
0x6b: {  	[sflag:s31] =	ssyncset.done $0x0  }
0x6c: {  	[sflag:s31] =	ssyncadd.s32 $0xFFFFFC00  }
0x6d: {  	_ =	sfence.sel $0x180000  }
0x6e: {  	[bflag:$0x0] =	sbarrier.arrive $0xFFFF  }
0x6f: {  	p0 =	sne.s32 s1, $0x0;
	_ =	strace $0x90000047  }
0x70: {  	s0 =	sadd.s32 @!p0 $0x100000, s0;
	[bflag:$0x2] =	sbarrier.arrive $0xFFFF  }
0x71: {  	[sflag:s0] =	ssyncadd.tile.s32 @!p0 $0x1;
	_ =	shalt  }
.Lfunc_end2:
_tile_overlayer_lowered:
.L_overlay_start_2:
0x72: {  	(tag) =	ssettag $0x2  }
0x73: {  	s0 =	rddreg [dreg:$0x0];
	s2 =	stileid.u32  }
0x74: {  	s1 =	rddreg [dreg:$0x1];
	p0 =	sne.s32 s2, $0x0  }
0x75: {  	s3 =	rddreg [dreg:$0x2];
	[bflag:$0x3] =	sbarrier.arrive $0xFFFF;
	s2 =	simm.s32 @!p0 $0x1C02  }
0x76: {  	[timem:s3], [sflag:s2] =	dma.local @!p0 [hbm:s0], s1  }
0x77: {  	s0 =	simm.s32 @!p0 $0x2  }
0x78: {  	_ =	swait.ge @!p0 [sflag:s0], s1  }
0x79: {  	s1 =	ssub.s32 @!p0 $0x0, s1;
	[sflag:s0] =	ssyncset.done @!p0 $0x0  }
0x7a: {  	[sflag:s0] =	ssyncadd.s32 @!p0 s1  }
0x7b: {  	[bflag:$0x3] =	sbarrier.arrive $0xFFFF  }
0x7c: {  	_ =	shalt  }

</sc_bundles>
